<compile_context>
chip_gen: v7x
topology: tpu7x:2x2x1
jax: 0.10.2.dev20260603
libtpu: 0.0.44.dev20260713+nightly
codegen_flags: <defaults>
</compile_context>

<pallas_src>
import functools

import jax
import jax.numpy as jnp
from jax.experimental import pallas as pl
from jax.experimental.pallas import tpu as pltpu

_KT = 4000


def _argmin_kernel(keys_ref, qT_ref, idx_ref, run_val, run_idx, *, kt, k_total):
    i = pl.program_id(0)
    keys = keys_ref[...]
    k2 = jnp.sum(keys * keys, axis=1, keepdims=True)
    s = jnp.dot(
        keys.astype(jnp.bfloat16),
        qT_ref[...].astype(jnp.bfloat16),
        preferred_element_type=jnp.float32,
    )
    d2 = k2 - 2.0 * s
    gidx = jax.lax.broadcasted_iota(jnp.int32, d2.shape, 0) + i * kt
    d2 = jnp.where(gidx < k_total, d2, jnp.float32(3.0e38))
    tmin = jnp.min(d2, axis=0, keepdims=True)
    tidx = jnp.min(
        jnp.where(d2 == tmin, gidx, jnp.int32(2**31 - 1)), axis=0, keepdims=True
    )

    @pl.when(i == 0)
    def _():
        run_val[...] = jnp.full_like(tmin, 3.4e38)
        run_idx[...] = jnp.zeros_like(tidx)

    better = tmin < run_val[...]
    run_val[...] = jnp.where(better, tmin, run_val[...])
    run_idx[...] = jnp.where(better, tidx, run_idx[...])

    @pl.when(i == pl.num_programs(0) - 1)
    def _():
        idx_ref[...] = run_idx[...]


def _fused_kernel(idx_ref, x_ref, w_ref, b_ref, v_hbm, o_ref, r_ref, vrow, sem, w_bf):
    bb = pl.program_id(0)
    row = idx_ref[bb]
    cp = pltpu.make_async_copy(v_hbm.at[pl.ds(row, 1), :], vrow, sem)
    cp.start()

    @pl.when(bb == 0)
    def _():
        w_bf[...] = w_ref[...].astype(jnp.bfloat16)

    x = x_ref[0].astype(jnp.bfloat16)
    acc = jnp.dot(x, w_bf[...], preferred_element_type=jnp.float32)
    o_ref[0, :, :] = acc + b_ref[...]
    cp.wait()
    v = vrow[...]
    ss = jnp.sum(v * v)
    inv = 1.0 / jnp.maximum(jnp.sqrt(ss), 1e-12)
    r_ref[0, :, :] = v * inv


def kernel(hidden_state, concept_signal, W, b, keys_mat, values):
    B, S, D = hidden_state.shape
    K, DQ = keys_mat.shape

    qT = concept_signal[:, 0, :].T
    nt = pl.cdiv(K, _KT)

    idx2d = pl.pallas_call(
        functools.partial(_argmin_kernel, kt=_KT, k_total=K),
        grid=(nt,),
        in_specs=[
            pl.BlockSpec((_KT, DQ), lambda i: (i, 0)),
            pl.BlockSpec((DQ, B), lambda i: (0, 0)),
        ],
        out_specs=pl.BlockSpec((1, B), lambda i: (0, 0)),
        out_shape=jax.ShapeDtypeStruct((1, B), jnp.int32),
        scratch_shapes=[
            pltpu.VMEM((1, B), jnp.float32),
            pltpu.VMEM((1, B), jnp.int32),
        ],
    )(keys_mat, qT)
    chosen = idx2d[0]

    b2d = b.reshape(1, D)

    layer_out, vta = pl.pallas_call(
        _fused_kernel,
        grid=(B,),
        in_specs=[
            pl.BlockSpec(memory_space=pltpu.SMEM),
            pl.BlockSpec((1, S, D), lambda bb: (bb, 0, 0)),
            pl.BlockSpec((D, D), lambda bb: (0, 0)),
            pl.BlockSpec((1, D), lambda bb: (0, 0)),
            pl.BlockSpec(memory_space=pl.ANY),
        ],
        out_specs=[
            pl.BlockSpec((1, S, D), lambda bb: (bb, 0, 0)),
            pl.BlockSpec((1, 1, D), lambda bb: (bb, 0, 0)),
        ],
        out_shape=[
            jax.ShapeDtypeStruct((B, S, D), jnp.float32),
            jax.ShapeDtypeStruct((B, 1, D), jnp.float32),
        ],
        scratch_shapes=[
            pltpu.VMEM((1, D), jnp.float32),
            pltpu.SemaphoreType.DMA,
            pltpu.VMEM((D, D), jnp.bfloat16),
        ],
    )(chosen, hidden_state, W, b2d, values)

    return jnp.concatenate([layer_out, vta], axis=1)

# --- scband reference (transcript-rebuilt; emitter-appended) ---
"""Pipeline reference for scband-my-vlmlayer-26164940767359 (READ-ONLY COPY).

The authoritative reference and input builder live on the scoring server;
editing this copy changes nothing except your own understanding.
"""

import jax, jax.numpy as jnp
import numpy as np

B, S, D = 8, 576, 2048
K, DQ = 100000, 512

def setup_inputs(seed: int = 0) -> dict:
    key = jax.random.key(seed)
    ks = jax.random.split(key, 6)
    hidden_state = jax.random.normal(ks[0], (B, S, D), dtype=jnp.float32)
    concept_signal = jax.random.normal(ks[1], (B, 1, DQ), dtype=jnp.float32)
    # wrapped layer = nn.Linear(D, D)
    W = jax.random.normal(ks[2], (D, D), dtype=jnp.float32) * 0.02
    b = jnp.zeros((D,), dtype=jnp.float32)
    # concept keys (face-signal space) and concept values (layer output space)
    keys_mat = jax.random.normal(ks[3], (K, DQ), dtype=jnp.float32)
    values = jax.random.normal(ks[4], (K, D), dtype=jnp.float32)
    return {"hidden_state": hidden_state, "concept_signal": concept_signal,
            "W": W, "b": b, "keys_mat": keys_mat, "values": values}

def reference(hidden_state, concept_signal, W, b, keys_mat, values):
    # layer_out = self.layer(hidden_state)
    layer_out = jnp.einsum('bsd,de->bse', hidden_state, W) + b
    # _get_query: single-face path -> concept_signal[:, 0, :]
    query = concept_signal[:, 0, :]  # [B, DQ]
    # _compute_distances: euclidean cdist(keys, query) -> [K, B]
    k2 = jnp.sum(keys_mat * keys_mat, axis=1, keepdims=True)  # [K, 1]
    q2 = jnp.sum(query * query, axis=1)[None, :]              # [1, B]
    d2 = k2 + q2 - 2.0 * (keys_mat @ query.T)                 # [K, B]
    dists = jnp.sqrt(jnp.maximum(d2, 0.0))
    # smallest_dist, chosen_key = dists.min(0)
    chosen_key = jnp.argmin(dists, axis=0)                    # [B]
    # key_idx_to_value_idx is identity; chosen_value = self.values[value_idxs]
    chosen_value = jnp.take(values, chosen_key, axis=0)       # [B, D]
    # F.normalize(chosen_value, dim=-1, p=2)
    nrm = jnp.sqrt(jnp.sum(chosen_value * chosen_value, axis=-1, keepdims=True))
    value_to_add = chosen_value / jnp.maximum(nrm, 1e-12)
    # torch.cat([layer_out, value_to_add.unsqueeze(1)], dim=1)
    # (threshold=1e9 so any(smallest_dist <= threshold) is always True)
    extended = jnp.concatenate([layer_out, value_to_add[:, None, :]], axis=1)
    return extended

if __name__ == "__main__":
    import jax
    _d = setup_inputs()
    print(jax.jit(kernel)(*tuple(_d.values())))

</pallas_src>

<mosaic_0001>
module attributes {stable_mosaic.version = 14 : i64} {
  func.func @_fused_kernel(%arg0: i32, %arg1: memref<8xi32, #tpu.memory_space<smem>>, %arg2: memref<1x576x2048xf32, #tpu.memory_space<vmem>>, %arg3: memref<2048x2048xf32, #tpu.memory_space<vmem>>, %arg4: memref<1x2048xf32, #tpu.memory_space<vmem>>, %arg5: memref<100000x2048xf32, #tpu.memory_space<any>>, %arg6: memref<1x576x2048xf32, #tpu.memory_space<vmem>>, %arg7: memref<1x1x2048xf32, #tpu.memory_space<vmem>>, %arg8: memref<1x2048xf32, #tpu.memory_space<vmem>>, %arg9: memref<!tpu.dma_semaphore, #tpu.memory_space<semaphore_mem>>, %arg10: memref<2048x2048xbf16, #tpu.memory_space<vmem>>) attributes {dimension_semantics = [#tpu.dimension_semantics<arbitrary>], iteration_bounds = array<i64: 8>, scalar_prefetch = 0 : i64, scratch_operands = 3 : i64, tpu.core_type = #tpu.core_type<tc>, window_params = [{transform_indices = @transform_0, window_bounds = array<i64: 8>}, {transform_indices = @transform_1, window_bounds = array<i64: 1, 576, 2048>}, {pipeline_mode = #tpu.pipeline_mode<synchronous>, transform_indices = @transform_2, window_bounds = array<i64: 2048, 2048>}, {pipeline_mode = #tpu.pipeline_mode<synchronous>, transform_indices = @transform_3, window_bounds = array<i64: 1, 2048>}, {}, {transform_indices = @transform_5, window_bounds = array<i64: 1, 576, 2048>}, {transform_indices = @transform_6, window_bounds = array<i64: 1, 1, 2048>}]} {
    %get3A = arith.index_cast %arg0 : i32 to index
    %get3A_0 = memref.load %arg1[%get3A] : memref<8xi32, #tpu.memory_space<smem>>
    %dma_start3A = arith.constant 0 : i32
    %dma_start3A_1 = tpu.memref_slice %arg5[%get3A_0, %dma_start3A] : memref<100000x2048xf32, #tpu.memory_space<any>> -> memref<1x2048xf32, #tpu.memory_space<any>>
    tpu.enqueue_dma source(%dma_start3A_1 : memref<1x2048xf32, #tpu.memory_space<any>>) target(%arg8 : memref<1x2048xf32, #tpu.memory_space<vmem>>) target_semaphore(%arg9 : memref<!tpu.dma_semaphore, #tpu.memory_space<semaphore_mem>>)
    %eq3A = arith.constant 0 : i32
    %eq3A_2 = arith.cmpi eq, %arg0, %eq3A : i32
    %convert_element_type3A = arith.extui %eq3A_2 : i1 to i32
    %cond3A = arith.constant 0 : i32
    %cond3A_3 = arith.cmpi ne, %convert_element_type3A, %cond3A : i32
    scf.if %cond3A_3 {
      %get3A_41 = arith.constant 0 : index
      %get3A_42 = arith.constant 0 : index
      %get3A_43 = vector.load %arg3[%get3A_41, %get3A_42] : memref<2048x2048xf32, #tpu.memory_space<vmem>>, vector<2048x2048xf32>
      %convert_element_type3A_44 = arith.truncf %get3A_43 : vector<2048x2048xf32> to vector<2048x2048xbf16>
      %swap3A_45 = arith.constant 0 : index
      %swap3A_46 = arith.constant 0 : index
      %swap3A_47 = vector.load %arg10[%swap3A_45, %swap3A_46] : memref<2048x2048xbf16, #tpu.memory_space<vmem>>, vector<2048x2048xbf16>
      tpu.vector_store %arg10[%swap3A_45, %swap3A_46], %convert_element_type3A_44 {strides = array<i32>} : memref<2048x2048xbf16, #tpu.memory_space<vmem>>, vector<2048x2048xbf16>,
    } else {
    }
    %get3A_4 = arith.constant 0 : index
    %get3A_5 = arith.constant 0 : index
    %get3A_6 = arith.constant 0 : index
    %get3A_7 = vector.load %arg2[%get3A_4, %get3A_5, %get3A_6] : memref<1x576x2048xf32, #tpu.memory_space<vmem>>, vector<1x576x2048xf32>
    %get3A_8 = vector.shape_cast %get3A_7 : vector<1x576x2048xf32> to vector<576x2048xf32>
    %convert_element_type3A_9 = arith.truncf %get3A_8 : vector<576x2048xf32> to vector<576x2048xbf16>
    %get3A_10 = arith.constant 0 : index
    %get3A_11 = arith.constant 0 : index
    %get3A_12 = vector.load %arg10[%get3A_10, %get3A_11] : memref<2048x2048xbf16, #tpu.memory_space<vmem>>, vector<2048x2048xbf16>
    %dot_general3A = arith.constant dense<0.000000e+00> : vector<576x2048xf32>
    %dot_general3A_13 = tpu.matmul %convert_element_type3A_9, %get3A_12, %dot_general3A {dimension_numbers = #tpu.dot_dimension_numbers<[1], [0], [0], [1], [0, 0, 1, 1], [], []>, transpose_lhs_hint = false} : vector<576x2048xbf16>, vector<2048x2048xbf16>, vector<576x2048xf32> -> vector<576x2048xf32>
    %get3A_14 = arith.constant 0 : index
    %get3A_15 = arith.constant 0 : index
    %get3A_16 = vector.load %arg4[%get3A_14, %get3A_15] : memref<1x2048xf32, #tpu.memory_space<vmem>>, vector<1x2048xf32>
    %add3A = vector.broadcast %get3A_16 : vector<1x2048xf32> to vector<576x2048xf32>
    %add3A_17 = arith.addf %dot_general3A_13, %add3A : vector<576x2048xf32>
    %swap3A = arith.constant 0 : index
    %swap3A_18 = arith.constant 0 : index
    %swap3A_19 = arith.constant 0 : index
    %swap3A_20 = vector.load %arg6[%swap3A, %swap3A_18, %swap3A_19] : memref<1x576x2048xf32, #tpu.memory_space<vmem>>, vector<1x576x2048xf32>
    %swap3A_21 = vector.shape_cast %swap3A_20 : vector<1x576x2048xf32> to vector<576x2048xf32>
    %swap3A_22 = vector.shape_cast %add3A_17 : vector<576x2048xf32> to vector<1x576x2048xf32>
    tpu.vector_store %arg6[%swap3A, %swap3A_18, %swap3A_19], %swap3A_22 {strides = array<i32>} : memref<1x576x2048xf32, #tpu.memory_space<vmem>>, vector<1x576x2048xf32>,
    %dma_wait3A = arith.constant 0 : i32
    %dma_wait3A_23 = tpu.memref_slice %arg5[%get3A_0, %dma_wait3A] : memref<100000x2048xf32, #tpu.memory_space<any>> -> memref<1x2048xf32, #tpu.memory_space<any>>
    tpu.wait_dma2 semaphore(%arg9 : memref<!tpu.dma_semaphore, #tpu.memory_space<semaphore_mem>>) src(%dma_wait3A_23 : memref<1x2048xf32, #tpu.memory_space<any>>) dst(%arg8 : memref<1x2048xf32, #tpu.memory_space<vmem>>)
    %get3A_24 = arith.constant 0 : index
    %get3A_25 = arith.constant 0 : index
    %get3A_26 = vector.load %arg8[%get3A_24, %get3A_25] : memref<1x2048xf32, #tpu.memory_space<vmem>>, vector<1x2048xf32>
    %mul3A = arith.mulf %get3A_26, %get3A_26 : vector<1x2048xf32>
    %reduce_sum3A = vector.shape_cast %mul3A : vector<1x2048xf32> to vector<1x1x2048xf32>
    %reduce_sum3A_27 = arith.constant dense<0.000000e+00> : vector<1xf32>
    %reduce_sum3A_28 = vector.multi_reduction <add>, %reduce_sum3A, %reduce_sum3A_27 [1, 2] : vector<1x1x2048xf32> to vector<1xf32>
    %reduce_sum3A_29 = vector.shape_cast %reduce_sum3A_28 : vector<1xf32> to vector<1x1x1xf32>
    %reduce_sum3A_30 = vector.extract %reduce_sum3A_29[0, 0, 0] : f32 from vector<1x1x1xf32>
    %sqrt3A = math.sqrt %reduce_sum3A_30 : f32
    %max3A = arith.constant 9.99999996E-13 : f32
    %max3A_31 = arith.maximumf %sqrt3A, %max3A : f32
    %div3A = arith.constant 1.000000e+00 : f32
    %div3A_32 = arith.divf %div3A, %max3A_31 : f32
    %mul3A_33 = vector.broadcast %div3A_32 : f32 to vector<1x2048xf32>
    %mul3A_34 = arith.mulf %get3A_26, %mul3A_33 : vector<1x2048xf32>
    %swap3A_35 = arith.constant 0 : index
    %swap3A_36 = arith.constant 0 : index
    %swap3A_37 = arith.constant 0 : index
    %swap3A_38 = vector.load %arg7[%swap3A_35, %swap3A_36, %swap3A_37] : memref<1x1x2048xf32, #tpu.memory_space<vmem>>, vector<1x1x2048xf32>
    %swap3A_39 = vector.shape_cast %swap3A_38 : vector<1x1x2048xf32> to vector<1x2048xf32>
    %swap3A_40 = vector.shape_cast %mul3A_34 : vector<1x2048xf32> to vector<1x1x2048xf32>
    tpu.vector_store %arg7[%swap3A_35, %swap3A_36, %swap3A_37], %swap3A_40 {strides = array<i32>} : memref<1x1x2048xf32, #tpu.memory_space<vmem>>, vector<1x1x2048xf32>,
    return
  }
  func.func @transform_0(%arg0: i32) -> i32 {
    %c0_i32 = arith.constant 0 : i32
    %c0_i32_0 = arith.constant 0 : i32
    return %c0_i32 : i32
  }
  func.func @transform_1(%arg0: i32) -> (i32, i32, i32) {
    %c0_i32 = arith.constant 0 : i32
    %c0_i32_0 = arith.constant 0 : i32
    %c0_i32_1 = arith.constant 0 : i32
    return %arg0, %c0_i32, %c0_i32_0 : i32, i32, i32
  }
  func.func @transform_2(%arg0: i32) -> (i32, i32) {
    %c0_i32 = arith.constant 0 : i32
    %c0_i32_0 = arith.constant 0 : i32
    %c0_i32_1 = arith.constant 0 : i32
    return %c0_i32, %c0_i32_0 : i32, i32
  }
  func.func @transform_3(%arg0: i32) -> (i32, i32) {
    %c0_i32 = arith.constant 0 : i32
    %c0_i32_0 = arith.constant 0 : i32
    %c0_i32_1 = arith.constant 0 : i32
    return %c0_i32, %c0_i32_0 : i32, i32
  }
  func.func @transform_5(%arg0: i32) -> (i32, i32, i32) {
    %c0_i32 = arith.constant 0 : i32
    %c0_i32_0 = arith.constant 0 : i32
    %c0_i32_1 = arith.constant 0 : i32
    return %arg0, %c0_i32, %c0_i32_0 : i32, i32, i32
  }
  func.func @transform_6(%arg0: i32) -> (i32, i32, i32) {
    %c0_i32 = arith.constant 0 : i32
    %c0_i32_0 = arith.constant 0 : i32
    %c0_i32_1 = arith.constant 0 : i32
    return %arg0, %c0_i32, %c0_i32_0 : i32, i32, i32
  }
}

module attributes {stable_mosaic.version = 14 : i64} {
  func.func @_argmin_kernel(%arg0: i32, %arg1: memref<4000x512xf32, #tpu.memory_space<vmem>>, %arg2: memref<512x8xf32, #tpu.memory_space<vmem>>, %arg3: memref<1x8xi32, #tpu.memory_space<vmem>>, %arg4: memref<1x8xf32, #tpu.memory_space<vmem>>, %arg5: memref<1x8xi32, #tpu.memory_space<vmem>>) attributes {dimension_semantics = [#tpu.dimension_semantics<arbitrary>], iteration_bounds = array<i64: 25>, scalar_prefetch = 0 : i64, scratch_operands = 2 : i64, tpu.core_type = #tpu.core_type<tc>, window_params = [{transform_indices = @transform_0, window_bounds = array<i64: 4000, 512>}, {pipeline_mode = #tpu.pipeline_mode<synchronous>, transform_indices = @transform_1, window_bounds = array<i64: 512, 8>}, {pipeline_mode = #tpu.pipeline_mode<synchronous>, transform_indices = @transform_2, window_bounds = array<i64: 1, 8>}]} {
    %get3A = arith.constant 0 : index
    %get3A_0 = arith.constant 0 : index
    %get3A_1 = vector.load %arg1[%get3A, %get3A_0] : memref<4000x512xf32, #tpu.memory_space<vmem>>, vector<4000x512xf32>
    %mul3A = arith.mulf %get3A_1, %get3A_1 : vector<4000x512xf32>
    %reduce_sum3A = arith.constant dense<0.000000e+00> : vector<4000xf32>
    %reduce_sum3A_2 = vector.multi_reduction <add>, %mul3A, %reduce_sum3A [1] : vector<4000x512xf32> to vector<4000xf32>
    %broadcast_in_dim3A = vector.shape_cast %reduce_sum3A_2 : vector<4000xf32> to vector<4000x1xf32>
    %convert_element_type3A = arith.truncf %get3A_1 : vector<4000x512xf32> to vector<4000x512xbf16>
    %get3A_3 = arith.constant 0 : index
    %get3A_4 = arith.constant 0 : index
    %get3A_5 = vector.load %arg2[%get3A_3, %get3A_4] : memref<512x8xf32, #tpu.memory_space<vmem>>, vector<512x8xf32>
    %convert_element_type3A_6 = arith.truncf %get3A_5 : vector<512x8xf32> to vector<512x8xbf16>
    %dot_general3A = arith.constant dense<0.000000e+00> : vector<4000x8xf32>
    %dot_general3A_7 = tpu.matmul %convert_element_type3A, %convert_element_type3A_6, %dot_general3A {dimension_numbers = #tpu.dot_dimension_numbers<[1], [0], [0], [1], [0, 0, 1, 1], [], []>, transpose_lhs_hint = false} : vector<4000x512xbf16>, vector<512x8xbf16>, vector<4000x8xf32> -> vector<4000x8xf32>
    %mul3A_8 = arith.constant 2.000000e+00 : f32
    %mul3A_9 = vector.broadcast %mul3A_8 : f32 to vector<4000x8xf32>
    %mul3A_10 = arith.mulf %mul3A_9, %dot_general3A_7 : vector<4000x8xf32>
    %sub3A = vector.broadcast %broadcast_in_dim3A : vector<4000x1xf32> to vector<4000x8xf32>
    %sub3A_11 = arith.subf %sub3A, %mul3A_10 : vector<4000x8xf32>
    %iota3A = tpu.iota {dimensions = array<i32: 0>} : vector<4000x8xi32>
    %mul3A_12 = arith.constant 4000 : i32
    %mul3A_13 = arith.muli %arg0, %mul3A_12 : i32
    %add3A = vector.broadcast %mul3A_13 : i32 to vector<4000x8xi32>
    %add3A_14 = arith.addi %iota3A, %add3A : vector<4000x8xi32>
    %lt3A = arith.constant 100000 : i32
    %lt3A_15 = vector.broadcast %lt3A : i32 to vector<4000x8xi32>
    %lt3A_16 = arith.cmpi slt, %add3A_14, %lt3A_15 : vector<4000x8xi32>
    %jit3A = arith.constant 3.000000e+38 : f32
    %broadcast_in_dim3A_17 = vector.broadcast %jit3A : f32 to vector<4000x8xf32>
    %select_n3A = arith.select %lt3A_16, %sub3A_11, %broadcast_in_dim3A_17 : vector<4000x8xi1>, vector<4000x8xf32>
    %reduce_min3A = arith.constant dense<0x7F800000> : vector<8xf32>
    %reduce_min3A_18 = vector.multi_reduction <minimumf>, %select_n3A, %reduce_min3A [0] : vector<4000x8xf32> to vector<8xf32>
    %broadcast_in_dim3A_19 = vector.shape_cast %reduce_min3A_18 : vector<8xf32> to vector<1x8xf32>
    %eq3A = vector.broadcast %broadcast_in_dim3A_19 : vector<1x8xf32> to vector<4000x8xf32>
    %eq3A_20 = arith.cmpf oeq, %select_n3A, %eq3A : vector<4000x8xf32>
    %jit3A_21 = arith.constant 2147483647 : i32
    %broadcast_in_dim3A_22 = vector.broadcast %jit3A_21 : i32 to vector<4000x8xi32>
    %select_n3A_23 = arith.select %eq3A_20, %add3A_14, %broadcast_in_dim3A_22 : vector<4000x8xi1>, vector<4000x8xi32>
    %reduce_min3A_24 = arith.constant dense<2147483647> : vector<8xi32>
    %reduce_min3A_25 = vector.multi_reduction <minsi>, %select_n3A_23, %reduce_min3A_24 [0] : vector<4000x8xi32> to vector<8xi32>
    %broadcast_in_dim3A_26 = vector.shape_cast %reduce_min3A_25 : vector<8xi32> to vector<1x8xi32>
    %eq3A_27 = arith.constant 0 : i32
    %eq3A_28 = arith.cmpi eq, %arg0, %eq3A_27 : i32
    %convert_element_type3A_29 = arith.extui %eq3A_28 : i1 to i32
    %cond3A = arith.constant 0 : i32
    %cond3A_30 = arith.cmpi ne, %convert_element_type3A_29, %cond3A : i32
    scf.if %cond3A_30 {
      %broadcast_in_dim3A_53 = arith.constant 3.400000e+38 : f32
      %broadcast_in_dim3A_54 = vector.broadcast %broadcast_in_dim3A_53 : f32 to vector<1x8xf32>
      %swap3A_55 = arith.constant 0 : index
      %swap3A_56 = arith.constant 0 : index
      %swap3A_57 = vector.load %arg4[%swap3A_55, %swap3A_56] : memref<1x8xf32, #tpu.memory_space<vmem>>, vector<1x8xf32>
      tpu.vector_store %arg4[%swap3A_55, %swap3A_56], %broadcast_in_dim3A_54 {strides = array<i32>} : memref<1x8xf32, #tpu.memory_space<vmem>>, vector<1x8xf32>,
      %broadcast_in_dim3A_58 = arith.constant 0 : i32
      %broadcast_in_dim3A_59 = vector.broadcast %broadcast_in_dim3A_58 : i32 to vector<1x8xi32>
      %swap3A_60 = arith.constant 0 : index
      %swap3A_61 = arith.constant 0 : index
      %swap3A_62 = vector.load %arg5[%swap3A_60, %swap3A_61] : memref<1x8xi32, #tpu.memory_space<vmem>>, vector<1x8xi32>
      tpu.vector_store %arg5[%swap3A_60, %swap3A_61], %broadcast_in_dim3A_59 {strides = array<i32>} : memref<1x8xi32, #tpu.memory_space<vmem>>, vector<1x8xi32>,
    } else {
    }
    %get3A_31 = arith.constant 0 : index
    %get3A_32 = arith.constant 0 : index
    %get3A_33 = vector.load %arg4[%get3A_31, %get3A_32] : memref<1x8xf32, #tpu.memory_space<vmem>>, vector<1x8xf32>
    %lt3A_34 = arith.cmpf olt, %broadcast_in_dim3A_19, %get3A_33 : vector<1x8xf32>
    %get3A_35 = arith.constant 0 : index
    %get3A_36 = arith.constant 0 : index
    %get3A_37 = vector.load %arg4[%get3A_35, %get3A_36] : memref<1x8xf32, #tpu.memory_space<vmem>>, vector<1x8xf32>
    %select_n3A_38 = arith.select %lt3A_34, %broadcast_in_dim3A_19, %get3A_37 : vector<1x8xi1>, vector<1x8xf32>
    %swap3A = arith.constant 0 : index
    %swap3A_39 = arith.constant 0 : index
    %swap3A_40 = vector.load %arg4[%swap3A, %swap3A_39] : memref<1x8xf32, #tpu.memory_space<vmem>>, vector<1x8xf32>
    tpu.vector_store %arg4[%swap3A, %swap3A_39], %select_n3A_38 {strides = array<i32>} : memref<1x8xf32, #tpu.memory_space<vmem>>, vector<1x8xf32>,
    %get3A_41 = arith.constant 0 : index
    %get3A_42 = arith.constant 0 : index
    %get3A_43 = vector.load %arg5[%get3A_41, %get3A_42] : memref<1x8xi32, #tpu.memory_space<vmem>>, vector<1x8xi32>
    %select_n3A_44 = arith.select %lt3A_34, %broadcast_in_dim3A_26, %get3A_43 : vector<1x8xi1>, vector<1x8xi32>
    %swap3A_45 = arith.constant 0 : index
    %swap3A_46 = arith.constant 0 : index
    %swap3A_47 = vector.load %arg5[%swap3A_45, %swap3A_46] : memref<1x8xi32, #tpu.memory_space<vmem>>, vector<1x8xi32>
    tpu.vector_store %arg5[%swap3A_45, %swap3A_46], %select_n3A_44 {strides = array<i32>} : memref<1x8xi32, #tpu.memory_space<vmem>>, vector<1x8xi32>,
    %eq3A_48 = arith.constant 24 : i32
    %eq3A_49 = arith.cmpi eq, %arg0, %eq3A_48 : i32
    %convert_element_type3A_50 = arith.extui %eq3A_49 : i1 to i32
    %cond3A_51 = arith.constant 0 : i32
    %cond3A_52 = arith.cmpi ne, %convert_element_type3A_50, %cond3A_51 : i32
    scf.if %cond3A_52 {
      %get3A_53 = arith.constant 0 : index
      %get3A_54 = arith.constant 0 : index
      %get3A_55 = vector.load %arg5[%get3A_53, %get3A_54] : memref<1x8xi32, #tpu.memory_space<vmem>>, vector<1x8xi32>
      %swap3A_56 = arith.constant 0 : index
      %swap3A_57 = arith.constant 0 : index
      %swap3A_58 = vector.load %arg3[%swap3A_56, %swap3A_57] : memref<1x8xi32, #tpu.memory_space<vmem>>, vector<1x8xi32>
      tpu.vector_store %arg3[%swap3A_56, %swap3A_57], %get3A_55 {strides = array<i32>} : memref<1x8xi32, #tpu.memory_space<vmem>>, vector<1x8xi32>,
    } else {
    }
    return
  }
  func.func @transform_0(%arg0: i32) -> (i32, i32) {
    %c0_i32 = arith.constant 0 : i32
    %c0_i32_0 = arith.constant 0 : i32
    return %arg0, %c0_i32 : i32, i32
  }
  func.func @transform_1(%arg0: i32) -> (i32, i32) {
    %c0_i32 = arith.constant 0 : i32
    %c0_i32_0 = arith.constant 0 : i32
    %c0_i32_1 = arith.constant 0 : i32
    return %c0_i32, %c0_i32_0 : i32, i32
  }
  func.func @transform_2(%arg0: i32) -> (i32, i32) {
    %c0_i32 = arith.constant 0 : i32
    %c0_i32_0 = arith.constant 0 : i32
    %c0_i32_1 = arith.constant 0 : i32
    return %c0_i32, %c0_i32_0 : i32, i32
  }
}

</mosaic_0001>

<sc_bundles>
// kernel: sparse-core-data-format-call.cloned.1.call-start
scs
called_computation_lowered:
.L_overlay_start_0:
0x0: {  	s2 =	sld [smem:$0x3FD9]  }
0x1: {  	s3 =	sld [smem:$0x3FFE];
	_ =	sdelay $0x1  }
0x2: {  	s1 =	srdreg.scid  }
0x3: {  	s0 =	sand.u32 $0x1, s1  }
0x4: {  	s18 =	sshll.u32 s0, $0xA;
	s2 =	sadd.s32 s3, s2  }
0x5: {  	s2 =	sadd.s32 s2, s18  }
0x6: {  	[smem:$0x3FC2] =	sst s2  }
0x7: {  	_ = 	snop  }
0x8: {  	s2 =	sld [smem:$0x3FD0];
	(tm) =	ssettm $0x1  }
0x9: {  	s19 =	sld [smem:$0x3FFB];
	_ =	sdelay $0x3  }
0xa: {  	_ =	strace s19  }
0xb: {  	s3 =	sld [smem:$0x3FFC];
	_ =	sdelay $0x3  }
0xc: {  	_ =	strace s3  }
0xd: {  	s3 =	sld [smem:$0x3FFD];
	_ =	sdelay $0x3  }
0xe: {  	_ =	strace s3  }
0xf: {  	_ =	strace $0x8FFFFFFF  }
0x10: {  	s20 =	sld [smem:$0x3FDB];
	_ =	sdelay $0x1  }
0x11: {  	s4 =	simm.s32 $_scs_section_size  }
0x12: {  	s5 =	simm.s32 $_size__tile_overlayer_lowered;
	s6 =	simm.s32 $_tile_overlayer_lowered  }
0x13: {  	s23 =	simm.s32 $0x1BFF;
	s22 =	sshll.u32 s6, $0x1;
	s3 =	sadd.s32 s4, s20  }
0x14: {  	s7 =	simm.s32 $0x0;
	s21 =	sshll.u32 s5, $0x1;
	s5 =	sadd.s32 s22, s3  }
0x15: {  	[timem:s7], [sflag:s23] =	dma.local [hbm:s5], s21  }
0x16: {  	_ =	swait.ge [sflag:s23], s21  }
0x17: {  	s4 =	ssub.s32 $0x0, s21;
	[sflag:s23] =	ssyncset.done $0x0  }
0x18: {  	[sflag:s23] =	ssyncadd.s32 s4;
	_ =	sdelay $0x1  }
0x19: {  	s24 =	simm.s32 $0x1B8B  }
0x1a: {  	_ =	swait.ge [sflag:s24], $0x1  }
0x1b: {  	[sflag:s24] =	ssyncset.done $0x0  }
0x1c: {  	s26 =	simm.s32 $0x1B8E;
	s25 =	sld [smem:$0x3FFE];
	[sflag:s24] =	ssyncadd.s32 $0xFFFFFFFF  }
0x1d: {  	s27 =	simm.s32 $execute0_lowered;
	[smem:$0x3FD2] =	sst s26  }
0x1e: {  	s5 =	sshll.u32 s27, $0x1;
	_ =	strace $0x80000046;
	[dreg:$0x1] =	wrdreg $0xFFFFFFFF  }
0x1f: {  	s28 =	simm.s32 $_size_execute0_lowered;
	s3 =	sadd.s32 s3, s5;
	[dreg:$0x0] =	wrdreg $0x0  }
0x20: {  	s5 =	sshll.u32 s28, $0x1;
	[dreg:$0x2] =	wrdreg s3  }
0x21: {  	[dreg:$0x3] =	wrdreg s5  }
0x22: {  	[dreg:$0x4] =	wrdreg $0xC0  }
0x23: {  	_ =	task [dreg:s7], $0x5FFFF  }
0x24: {  	[dreg:$0x1] =	wrdreg $0xFFFFFFFF  }
0x25: {  	[dreg:$0x0] =	wrdreg $0x60  }
0x26: {  	[dreg:$0x2] =	wrdreg s25  }
0x27: {  	[dreg:$0x3] =	wrdreg s2  }
0x28: {  	[dreg:$0x4] =	wrdreg $0x9  }
0x29: {  	_ =	task.clear_ibuf [dreg:s7], $0x5FFFF;
	_ =	strace $0x90000046  }
0x2a: {  	s29 =	simm.s32 $0x9;
	_ =	strace $0x80000048  }
0x2b: {  	_ =	swait.ge [sflag:s29], $0x1  }
0x2c: {  	[sflag:s29] =	ssyncadd.s32 $0xFFFFFFFF  }
0x2d: {  	_ =	strace $0x90000048  }
0x2e: {  	_ =	sfence  }
0x2f: {  	s30 =	sld [smem:$0x0];
	_ =	sdelay $0x2  }
0x30: {  	s31 =	sshll.u32 s1, $0xD;
	s1 =	sshrl.u32 s1, $0x2  }
0x31: {  	s3 =	sand.u32 $0x4000, s31;
	s1 =	sadd.s32 s1, s30  }
0x32: {  	s0 =	sor.u32 s3, s0;
	s1 =	sshll.u32 s1, $0x11  }
0x33: {  	s0 =	sor.u32 s1, s0  }
0x34: {  	s0 =	sadd.s32 $0x8F2B, s0  }
0x35: {  	[sflag:s0] =	ssyncadd.remote.s32 $0x1  }
0x36: {  	_ =	sfence.sel $0xFFFF  }
0x37: {  	[dreg:$0x0] =	wrdreg $0xFFFFFFFF;
	(pc) =	sbr.abs _section_cstart, $3  }
0x38: {  	[dreg:$0x1] =	wrdreg $0xFFFFFFFF  }
0x39: {  	_ =	task.clear_ibuf [dreg:s7], $0x2FFFF;
	_ =	strace $0x9FFFFFFF  }
0x3a: {  	(tm) =	ssettm $0x7FFFFFFF  }
0x3b: {  	_ =	shalt  }
tec
execute0_lowered:
.L_overlay_start_1:
0x0: {  	(tag) =	ssettag $0x1  }
0x1: {  	s4 =	stileid.u32;
	s0 =	srdreg.scid  }
0x2: {  	s2 =	rddreg [dreg:$0x0];
	_ =	strace $0x80000047;
	s31 =	simm.s32 $0x2  }
0x3: {  	s18 =	simm.s32 $0x0;
	s10 =	simm.s32 $0x800;
	s11 =	simm.s32 $0x4000  }
0x4: {  	s12 =	simm.s32 $0x0;
	s1 =	sshll.u32 s4, $0x6;
	s0 =	sshll.u32 s0, $0xA  }
0x5: {  	s19 =	simm.s32 $0x0;
	s20 =	simm.s32 $0x0;
	s0 =	sor.u32 s1, s0  }
0x6: {  	s13 =	simm.s32 $0x0;
	s28 =	sshll.u32 s4, $0x3;
	s3 =	sand.u32 $0x700, s0  }
0x7: {  	s14 =	simm.s32 $0x0;
	s4 =	sand.u32 $0x18, s28;
	s29 =	ssub.s32 $0x800, s3  }
0x8: {  	s16 =	simm.s32 $0x0;
	s5 =	ssub.s32 $0x240, s4;
	s30 =	sand.u32 $0x700, s29  }
0x9: {  	s0 =	simm.s32 $0x1;
	s6 =	sshrl.u32 s5, $0x5;
	p0 =	sne.s32 s30, $0x0  }
.Ltmp0:
0xa: {  	s1 =	sshrl.u32 s29, $0xB;
	s0 =	simm.s32 @!p0 $0x0;
	(pc) =	sbr.rel .LBB1_1-.Ltmp0, $4  }
0xb: {  	s17 =	simm.s32 $0x0;
	s6 =	sadd.s32 $0x1, s6;
	s0 =	sadd.s32 s0, s1  }
0xc: {  	s26 =	simm.s32 $0x0;
	s5 =	simm.s32 $0x1;
	s6 =	smul.u32 s6, s0  }
0xd: {  	s7 =	sadd.s32 $0xA00, s2;
	s15 =	smov.u32 s4;
	[sflag:s5] =	ssyncpa.u1 $0x0  }
0xe: {  	s8 =	sshll.u32 s3, $0x3;
	[sflag:s31] =	ssyncpa.u1 $0x0;
	s9 =	sadd.s32 $0x1, s6  }
.LBB1_7:
0xf: {  	p0 =	slt.u32 s17, $0x2  }
0x10: {  	p1 =	sgt.s32 @!p0 s18, $0x239  }
0x11: {  	s0 =	smov.u32 s18;
	s1 =	sshra.s32 @!p0 s18, $0x1F;
	p1 =	por !p1, p0  }
0x12: {  	s1 =	sand.u32 @!p0 s1, s18;
	s0 =	simm.s32 @p1 $0x239  }
0x13: {  	s0 =	ssub.s32 @!p0 s0, s1  }
0x14: {  	s2 =	ssub.s32 @!p0 $0x0, s19;
	s1 =	sadd.s32 @!p0 $0xFFFFFDC7, s0  }
0x15: {  	p1 =	sgt.s32 @!p0 s1, $0x7;
	s1 =	smin.u32 @!p0 s19, s2  }
0x16: {  	s0 =	ssub.s32 @!p0 $0x241, s0;
	p2 =	sgt.s32 @!p0 s1, $0x7;
	s1 =	sshll.u32 @!p0 s1, $0x8  }
0x17: {  	p1 =	por !p1, p0;
	s1 =	ssub.s32 @!p0 $0x800, s1;
	p2 =	por !p2, p0  }
0x18: {  	s0 =	simm.s32 @!p1 $0x0;
	s1 =	simm.s32 @!p2 $0x0  }
0x19: {  	s0 =	smul.u32 @!p0 s0, s1;
	s1 =	sadd.s32 $0x20, s15  }
0x1a: {  	s21 =	smov.u32 s16;
	s18 =	sadd.s32 $0x8, s16;
	p1 =	sgt.s32 s1, $0x240  }
0x1b: {  	s21 =	smov.u32 @p1 s18  }
0x1c: {  	s1 =	smov.u32 @p1 s4;
	p1 =	sgt.s32 s21, $0x7  }
0x1d: {  	s12 =	sadd.s32 $0x4000, s12;
	s21 =	simm.s32 @p1 $0x0;
	p1 =	sne.s32 s17, s9  }
.Ltmp1:
0x1e: {  	s20 =	smov.u32 s3;
	s2 =	simm.s32 @!p0 $0x2;
	(pc) =	sbr.rel @!p1 .LBB1_8-.Ltmp1, $4  }
0x1f: {  	s19 =	smov.u32 s14;
	s14 =	smov.u32 s16;
	s0 =	sand.u32 @!p0 $0x3FFFFF00, s0  }
0x20: {  	s18 =	smov.u32 s13;
	s13 =	smov.u32 s15;
	_ =	swait.ge @!p0 [sflag:s2], s0  }
0x21: {  	s0 =	ssub.s32 @!p0 $0x0, s0;
	s15 =	smov.u32 s1;
	[sflag:s2] =	ssyncset.done @!p0 $0x0  }
0x22: {  	s17 =	sadd.s32 $0x1, s17;
	[sflag:s2] =	ssyncadd.s32 @!p0 s0;
	s16 =	smov.u32 s21  }
.LBB1_1:
0x23: {  	p0 =	sge.u32 s17, s6  }
0x24: {  	s0 =	sshll.u32 @!p0 s15, $0xB  }
0x25: {  	s0 =	sand.u32 @!p0 $0xFFFFC000, s0  }
0x26: {  	s0 =	sor.u32 @!p0 s8, s0  }
0x27: {  	s0 =	sshrl.u32 @!p0 s0, $0xB  }
0x28: {  	s1 =	smulhi.u32 @!p0 $0x70381D, s0;
	_ =	sdelay $0x1  }
0x29: {  	s1 =	smul.u32 @!p0 $0x248, s1  }
0x2a: {  	s31 =	sadd.s32 $0xFFFFFFFF, s17;
	s2 =	smul.u32 @!p0 $0x24800, s16  }
0x2b: {  	s21 =	sxor.u32 @!p0 $0xFFFFFFFF, s17;
	s0 =	ssub.s32 @!p0 s0, s1;
	s1 =	sshll.u32 @!p0 s15, $0x4  }
0x2c: {  	s21 =	sshll.u32 @!p0 s21, $0xE;
	s2 =	sadd.s32 @!p0 s7, s2;
	s1 =	sand.u32 @!p0 $0x70, s1  }
0x2d: {  	s21 =	sand.u32 @!p0 $0x4000, s21;
	s0 =	sshll.u32 @!p0 s0, $0x8;
	s1 =	sadd.s32 @!p0 s1, s2  }
0x2e: {  	s2 =	simm.s32 @!p0 $0x124000;
	s0 =	sadd.s32 @!p0 s0, s1;
	s1 =	simm.s32 @!p0 $0x800  }
0x2f: {  	[tilespmem:s21], [sflag:$0x1] =	stream.strided.gather @!p0 [hbm4b:s0+s1], $0x4000, s2, s1, $0x38;
	[tilespmem:$0x10000] =	vst v63  }
0x30: {  	p0 =	sge.u32 s31, s6  }
.Ltmp2:
0x31: {  	_ = 	snop;
	(pc) =	sbr.rel @p0 .LBB1_7-.Ltmp2, $1  }
0x32: {  	_ =	sdelay $0x3  }
0x33: {  	s0 =	sshll.u32 s12, $0x2;
	_ =	swait.ge [sflag:s5], $0x4000;
	s1 =	sshll.u32 s17, $0xE  }
0x34: {  	p0 =	por $0x0, $0x0;
	s27 =	simm.s32 $0x0;
	s28 =	simm.s32 $0x0  }
0x35: {  	s0 =	sand.u32 $0x10000, s0;
	[sflag:s5] =	ssyncset.done $0x0;
	s24 =	sand.u32 $0x4000, s1  }
0x36: {  	s0 =	sshrl.u32 s0, $0x2;
	[sflag:s5] =	ssyncadd.s32 $0xFFFFC000;
	s21 =	sor.u32 $0x8000, s24  }
0x37: {  	s22 =	sor.u32 $0x40, s0;
	s23 =	sor.u32 $0x8410, s0;
	s25 =	sadd.s32 $0x8400, s0  }
.LBB1_3:
0x38: {  	v1 =	vld [tilespmem:s22+$0xFFFFFFD0]  }
0x39: {  	v2 =	vld [tilespmem:s22+$0x430]  }
0x3a: {  	s0 =	sshll.u32 s28, $0xB;
	v4 =	vld [tilespmem:s22+$0xFFFFFFE0]  }
0x3b: {  	v7 =	vld [tilespmem:s22+$0xFFFFFFF0];
	v0 =	vmov s0  }
0x3c: {  	v8 =	vld [tilespmem:s22+$0x0]  }
0x3d: {  	s2 =	sand.u32 $0x300, s26;
	v9 =	vld [tilespmem:s22+$0x10]  }
0x3e: {  	s1 =	sand.u32 $0x80, s26;
	v10 =	vld [tilespmem:s22+$0x20];
	s0 =	sadd.s32 s2, s24  }
0x3f: {  	v11 =	vld [tilespmem:s22+$0x30];
	s0 =	sadd.s32 s1, s0;
	s1 =	simm.s32 $0x1;
	[tilespmem:s23+$0x60] =	vst v2  }
0x40: {  	s2 =	sshll.u32 s27, $0x2;
	s1 =	simm.s32 @!p0 $0x0;
	[tilespmem:s23+$0xFFFFFC00] =	vst v1;
	v3 =	vld.idx.msk [tilespmem:v0+s0+$0x400 ss:$0x1], $0xffff  }
0x41: {  	v6 =	vld [tilespmem:s22+$0x3D0];
	s1 =	sshll.u32 s1, $0x9;
	[tilespmem:s23+$0xFFFFFC10] =	vst v4;
	s0 =	sand.u32 $0xFFFFFC00, s2  }
0x42: {  	v5 =	vld [tilespmem:s22+$0x3E0];
	[tilespmem:s23+$0xFFFFFC20] =	vst v7;
	s0 =	sor.u32 s1, s0  }
0x43: {  	[tilespmem:s23+$0xFFFFFC30] =	vst v8;
	v4 =	vld [tilespmem:s22+$0x400];
	s0 =	sshrl.u32 s0, $0x2  }
0x44: {  	[tilespmem:s23+$0xFFFFFC40] =	vst v9;
	v1 =	vld [tilespmem:s22+$0x410];
	s29 =	sadd.s32 s0, s25  }
0x45: {  	[tilespmem:s29+$0x0] =	vst v3;
	v3 =	vld [tilespmem:s22+$0x3F0]  }
0x46: {  	s30 =	sadd.s32 $0x80, s22;
	[tilespmem:s23+$0xFFFFFC50] =	vst v10;
	v2 =	vld [tilespmem:s22+$0x420];
	s0 =	simm.s32 $0x80  }
0x47: {  	s31 =	smov.u32 s23;
	v7 =	vld [tilespmem:s22+$0xFFFFFFC0];
	[tilespmem:s23+$0xFFFFFC60] =	vst v11;
	s1 =	simm.s32 $0x100;
	s2 =	sand.u32 $0x300, s0  }
.LBB1_4:
0x48: {  	p1 =	sne.s32 s1, $0x380;
	v8 =	vld [tilespmem:s30+$0xFFFFFFD0];
	s0 =	sand.u32 $0x80, s0;
	s2 =	sadd.s32 s2, s24;
	[tilespmem:s31+$0x0] =	vst v6  }
0x49: {  	s2 =	sadd.s32 s0, s2;
	v6 =	vld [tilespmem:s30+$0x430];
	[tilespmem:s31+$0x10] =	vst v5;
	s0 =	smov.u32 s1  }
0x4a: {  	v5 =	vld.idx.msk [tilespmem:v0+s2+$0x400 ss:$0x1], $0xffff;
	[tilespmem:s31+$0x20] =	vst v3  }
0x4b: {  	v3 =	vld [tilespmem:s30+$0xFFFFFFE0];
	[tilespmem:s31+$0x30] =	vst v4  }
0x4c: {  	v4 =	vld [tilespmem:s30+$0xFFFFFFF0];
	[tilespmem:s31+$0xFFFFFBF0] =	vst v7  }
0x4d: {  	v7 =	vld [tilespmem:s30+$0x0];
	[tilespmem:s31+$0x40] =	vst v1  }
0x4e: {  	v1 =	vld [tilespmem:s30+$0x10];
	[tilespmem:s31+$0x50] =	vst v2;
	s31 =	sadd.s32 $0x800, s31  }
0x4f: {  	s29 =	sadd.s32 $0x800, s29;
	v2 =	vld [tilespmem:s30+$0x20];
	[tilespmem:s31+$0x60] =	vst v6  }
0x50: {  	v9 =	vld [tilespmem:s30+$0x30];
	[tilespmem:s29+$0x0] =	vst v5  }
0x51: {  	[tilespmem:s31+$0xFFFFFC00] =	vst v8;
	v6 =	vld [tilespmem:s30+$0x3D0]  }
0x52: {  	[tilespmem:s31+$0xFFFFFC10] =	vst v3;
	v5 =	vld [tilespmem:s30+$0x3E0]  }
.Ltmp3:
0x53: {  	[tilespmem:s31+$0xFFFFFC20] =	vst v4;
	v3 =	vld [tilespmem:s30+$0x3F0];
	(pc) =	sbr.rel @p1 .LBB1_4-.Ltmp3, $4  }
0x54: {  	[tilespmem:s31+$0xFFFFFC30] =	vst v7;
	v4 =	vld [tilespmem:s30+$0x400]  }
0x55: {  	[tilespmem:s31+$0xFFFFFC40] =	vst v1;
	v1 =	vld [tilespmem:s30+$0x410]  }
0x56: {  	[tilespmem:s31+$0xFFFFFC50] =	vst v2;
	v2 =	vld [tilespmem:s30+$0x420]  }
0x57: {  	s1 =	sadd.s32 $0x80, s1;
	s2 =	sand.u32 $0x300, s0;
	v7 =	vld [tilespmem:s30+$0xFFFFFFC0];
	[tilespmem:s31+$0xFFFFFC60] =	vst v9;
	s30 =	sadd.s32 $0x80, s30  }
0x58: {  	[tilespmem:s31+$0x0] =	vst v6  }
0x59: {  	[tilespmem:s31+$0x10] =	vst v5  }
0x5a: {  	v49 =	vld [tilespmem:s30+$0x430];
	[tilespmem:s31+$0x20] =	vst v3  }
0x5b: {  	v50 =	vld [tilespmem:s30+$0xFFFFFFD0];
	[tilespmem:s31+$0x30] =	vst v4  }
0x5c: {  	v51 =	vld [tilespmem:s30+$0xFFFFFFE0];
	[tilespmem:s31+$0x40] =	vst v1  }
0x5d: {  	v52 =	vld [tilespmem:s30+$0xFFFFFFF0];
	[tilespmem:s31+$0x50] =	vst v2  }
0x5e: {  	s1 =	sadd.s32 s2, s24;
	s2 =	sadd.s32 $0x800, s31;
	v53 =	vld [tilespmem:s30+$0x0];
	[tilespmem:s31+$0xFFFFFBF0] =	vst v7  }
0x5f: {  	v54 =	vld [tilespmem:s30+$0x10];
	[tilespmem:s2+$0x60] =	vst v49  }
0x60: {  	v55 =	vld [tilespmem:s30+$0x20];
	[tilespmem:s2+$0xFFFFFC00] =	vst v50  }
0x61: {  	v56 =	vld [tilespmem:s30+$0x30];
	[tilespmem:s2+$0xFFFFFC10] =	vst v51  }
0x62: {  	v57 =	vld [tilespmem:s30+$0x3D0];
	[tilespmem:s2+$0xFFFFFC20] =	vst v52  }
0x63: {  	v58 =	vld [tilespmem:s30+$0x3E0];
	[tilespmem:s2+$0xFFFFFC30] =	vst v53  }
0x64: {  	v59 =	vld [tilespmem:s30+$0x3F0];
	[tilespmem:s2+$0xFFFFFC40] =	vst v54  }
0x65: {  	v60 =	vld [tilespmem:s30+$0x400];
	[tilespmem:s2+$0xFFFFFC50] =	vst v55  }
0x66: {  	v61 =	vld [tilespmem:s30+$0xFFFFFFC0];
	[tilespmem:s2+$0xFFFFFC60] =	vst v56  }
0x67: {  	s0 =	sand.u32 $0x80, s0;
	v62 =	vld [tilespmem:s30+$0x410];
	[tilespmem:s2+$0x0] =	vst v57  }
0x68: {  	v63 =	vld [tilespmem:s30+$0x420];
	s28 =	sadd.s32 $0x1, s28;
	s0 =	sadd.s32 s0, s1;
	[tilespmem:s2+$0x10] =	vst v58  }
0x69: {  	p1 =	sne.s32 s28, $0x8;
	v0 =	vld.idx.msk [tilespmem:v0+s0+$0x400 ss:$0x1], $0xffff;
	[tilespmem:s2+$0x20] =	vst v59  }
.Ltmp4:
0x6a: {  	[tilespmem:s2+$0x30] =	vst v60;
	(pc) =	sbr.rel @p1 .LBB1_3-.Ltmp4, $4  }
0x6b: {  	[tilespmem:s2+$0xFFFFFBF0] =	vst v61  }
0x6c: {  	[tilespmem:s2+$0x40] =	vst v62  }
0x6d: {  	s22 =	sadd.s32 $0x800, s22;
	s31 =	sadd.s32 $0x800, s29;
	[tilespmem:s2+$0x50] =	vst v63  }
0x6e: {  	s27 =	sadd.s32 $0x80, s27;
	p0 =	por !p0, !p0;
	s23 =	sadd.s32 $0x80, s23;
	[tilespmem:s31+$0x0] =	vst v0  }
0x6f: {  	p0 =	sgt.s32 s13, $0x239  }
0x70: {  	s0 =	smov.u32 s13;
	s1 =	sshra.s32 s13, $0x1F;
	s28 =	ssub.s32 $0x0, s14  }
0x71: {  	s30 =	sshll.u32 s13, $0xB;
	s0 =	simm.s32 @!p0 $0x239;
	s1 =	sand.u32 s1, s13  }
0x72: {  	s22 =	rddreg [dreg:$0x1];
	s0 =	ssub.s32 s0, s1;
	s1 =	smin.u32 s14, s28  }
0x73: {  	s2 =	sadd.s32 $0xFFFFFDC7, s0;
	s29 =	sshll.u32 s1, $0x8;
	s0 =	ssub.s32 $0x241, s0  }
0x74: {  	p1 =	sgt.s32 s1, $0x7;
	p0 =	sgt.s32 s2, $0x7;
	s1 =	ssub.s32 $0x800, s29  }
.Ltmp5:
0x75: {  	s0 =	simm.s32 @p0 $0x0;
	s1 =	simm.s32 @p1 $0x0;
	(pc) =	sbr.rel .LBB1_7-.Ltmp5, $4  }
0x76: {  	s31 =	sshll.u32 s14, $0x4;
	s20 =	sadd.s32 s22, s20;
	s0 =	smul.u32 s0, s1  }
0x77: {  	s2 =	sand.u32 $0x70, s31;
	s1 =	sadd.s32 s30, s20  }
0x78: {  	s1 =	sadd.s32 s2, s1;
	s0 =	sand.u32 $0x3FFFFF00, s0  }
0x79: {  	[hbm4b:s1+s10] =	stream.strided.scatter [tilespmem:s21], [sflag:$0x2], s0, s11, s10, $0x38;
	[tilespmem:$0x10000] =	vst v63  }
.LBB1_8:
0x7a: {  	_ =	sfence.sel $0x180000  }
0x7b: {  	s0 =	simm.s32 $0x1;
	[bflag:$0x0] =	sbarrier.arrive $0xFFFF  }
0x7c: {  	s30 =	simm.s32 $0x2;
	[sflag:s0] =	ssyncpa.u1 $0x1  }
0x7d: {  	[sflag:s30] =	ssyncpa.u1 $0x1  }
0x7e: {  	_ =	strace $0x90000047  }
0x7f: {  	s31 =	stileid.u32;
	[bflag:$0x2] =	sbarrier.arrive $0xFFFF  }
0x80: {  	p0 =	sne.s32 s31, $0x0;
	s0 =	rddreg [dreg:$0x2]  }
0x81: {  	s0 =	sadd.s32 @!p0 $0x100000, s0  }
0x82: {  	[sflag:s0] =	ssyncadd.tile.s32 @!p0 $0x1;
	_ =	shalt  }
.Lfunc_end1:
_tile_overlayer_lowered:
.L_overlay_start_2:
0x83: {  	(tag) =	ssettag $0x2  }
0x84: {  	s0 =	rddreg [dreg:$0x0];
	s2 =	stileid.u32  }
0x85: {  	s1 =	rddreg [dreg:$0x1];
	p0 =	sne.s32 s2, $0x0  }
0x86: {  	s3 =	rddreg [dreg:$0x2];
	[bflag:$0x3] =	sbarrier.arrive $0xFFFF;
	s2 =	simm.s32 @!p0 $0x1C01  }
0x87: {  	[timem:s3], [sflag:s2] =	dma.local @!p0 [hbm:s0], s1  }
0x88: {  	s0 =	simm.s32 @!p0 $0x1  }
0x89: {  	_ =	swait.ge @!p0 [sflag:s0], s1  }
0x8a: {  	s1 =	ssub.s32 @!p0 $0x0, s1;
	[sflag:s0] =	ssyncset.done @!p0 $0x0  }
0x8b: {  	[sflag:s0] =	ssyncadd.s32 @!p0 s1  }
0x8c: {  	[bflag:$0x3] =	sbarrier.arrive $0xFFFF  }
0x8d: {  	_ =	shalt  }

</sc_bundles>
